<compile_context>
chip_gen: v7x
topology: tpu7x:2x2x1
jax: 0.10.2.dev20260603
libtpu: 0.0.44.dev20260713+nightly
codegen_flags: <defaults>
</compile_context>

<pallas_src>
import functools

import jax
import jax.numpy as jnp
from jax import lax
from jax.experimental import pallas as pl
from jax.experimental.pallas import tpu as pltpu
from jax.experimental.pallas import tpu_sc as plsc

_CHUNK = 256
_RING = 5
_TBN = 32768


def _transpose_pad(wt):
  d, v = wt.shape
  grid = (v + _TBN - 1) // _TBN

  def body(in_ref, out_ref):
    t = in_ref[...]
    out_ref[...] = jnp.pad(t.T, ((0, 0), (0, d)))

  return pl.pallas_call(
      body,
      grid=(grid,),
      in_specs=[pl.BlockSpec((d, _TBN), lambda i: (0, i))],
      out_specs=pl.BlockSpec((_TBN, 2 * d), lambda i: (i, 0)),
      out_shape=jax.ShapeDtypeStruct((v, 2 * d), jnp.float32),
  )(wt)


@functools.partial(jax.jit, static_argnums=(2, 3, 4, 5))
def _gather(idx, table, nw, nc, n_rows, d):
  per_tile = n_rows // nw
  chunks = per_tile // _CHUNK
  n_outer = chunks // _RING
  mesh = plsc.VectorSubcoreMesh(core_axis_name="c", subcore_axis_name="s")

  @functools.partial(
      pl.kernel,
      mesh=mesh,
      out_type=jax.ShapeDtypeStruct((n_rows, 2 * d), jnp.float32),
      scratch_types=(
          [pltpu.VMEM((chunks, _CHUNK), jnp.int32)]
          + [pltpu.VMEM((_CHUNK, d), jnp.float32) for _ in range(_RING)]
          + [pltpu.SemaphoreType.DMA for _ in range(2 * _RING)]
      ),
      compiler_params=pltpu.CompilerParams(use_tc_tiling_on_sc=False),
  )
  def k(idx_hbm, table_hbm, out_hbm, idx_v, *rest):
    bufs = rest[:_RING]
    gsems = rest[_RING:2 * _RING]
    wsems = rest[2 * _RING:]
    wid = lax.axis_index("s") * nc + lax.axis_index("c")
    pltpu.sync_copy(idx_hbm.at[wid], idx_v)
    row0 = wid * per_tile

    def fire_gather(c, b):
      pltpu.async_copy(table_hbm.at[idx_v.at[c]], bufs[b], gsems[b])

    def wait_gather(c, b):
      pltpu.make_async_copy(table_hbm.at[idx_v.at[c]], bufs[b], gsems[b]).wait()

    def fire_wb(c, b):
      pltpu.async_copy(
          bufs[b],
          out_hbm.at[pl.ds(row0 + c * _CHUNK, _CHUNK), pl.ds(0, d)],
          wsems[b])

    def wait_wb(b):
      pltpu.make_async_copy(
          bufs[b], out_hbm.at[pl.ds(row0, _CHUNK), pl.ds(0, d)],
          wsems[b]).wait()

    for b in range(_RING):
      fire_gather(b, b)
    for b in range(_RING):
      wait_gather(b, b)
      fire_wb(b, b)

    @pl.loop(1, n_outer)
    def _(o):
      for b in range(_RING):
        wait_wb(b)
        fire_gather(o * _RING + b, b)
      for b in range(_RING):
        wait_gather(o * _RING + b, b)
        fire_wb(o * _RING + b, b)

    for b in range(_RING):
      wait_wb(b)

  return k(idx, table)


def kernel(token_ids, weight):
  b, s = token_ids.shape
  v, d = weight.shape
  n_rows = b * s
  info = plsc.get_sparse_core_info()
  nw = info.num_cores * info.num_subcores
  per_tile = n_rows // nw
  assert n_rows == nw * per_tile and per_tile % _CHUNK == 0
  assert (per_tile // _CHUNK) % _RING == 0
  idx = (token_ids.astype(jnp.int32) * 2).reshape(nw, per_tile // _CHUNK,
                                                  _CHUNK)
  wpad = _transpose_pad(weight.T).reshape(2 * v, d)
  out_wide = _gather(idx, wpad, nw, info.num_cores, n_rows, d)
  return out_wide[:, :d].reshape(b, s, d)

# --- scband reference (transcript-rebuilt; emitter-appended) ---
"""Pipeline reference for scband-embedding-10445360464295 (READ-ONLY COPY).

The authoritative reference and input builder live on the scoring server;
editing this copy changes nothing except your own understanding.
"""

import jax, jax.numpy as jnp
import numpy as np

NUM_EMBEDDINGS = 1000000
EMBEDDING_DIM = 64


def setup_inputs(seed: int = 0) -> dict:
    key = jax.random.key(seed)
    k_idx, k_w = jax.random.split(key)
    token_ids = jax.random.randint(k_idx, (4096, 200), 0, NUM_EMBEDDINGS, dtype=jnp.int64 if jax.config.jax_enable_x64 else jnp.int32)
    # truncated normal init, mean=0, std=1, a=-3, b=3
    weight = jax.random.truncated_normal(k_w, -3.0, 3.0, (NUM_EMBEDDINGS, EMBEDDING_DIM), dtype=jnp.float32)
    return {"token_ids": token_ids, "weight": weight}


def reference(token_ids, weight):
    # Embedding lookup: weight[token_ids] -> (batch, seq, embedding_dim)
    return jnp.take(weight, token_ids, axis=0)

if __name__ == "__main__":
    import jax
    _d = setup_inputs()
    print(jax.jit(kernel)(*tuple(_d.values())))

</pallas_src>

<mosaic_0001>
#map = affine_map<(d0, d1) -> (0, 0, 0)>
#map1 = affine_map<(d0, d1) -> (0, 0)>
module attributes {stable_mosaic.version = 14 : i64} {
  func.func @k(%arg0: i32, %arg1: i32, %arg2: memref<32x100x256xi32, #tpu.memory_space<hbm>>, %arg3: memref<2000000x64xf32, #tpu.memory_space<hbm>>, %arg4: memref<819200x128xf32, #tpu.memory_space<hbm>>, %arg5: memref<100x256xi32, #tpu.memory_space<vmem>>, %arg6: memref<256x64xf32, #tpu.memory_space<vmem>>, %arg7: memref<256x64xf32, #tpu.memory_space<vmem>>, %arg8: memref<256x64xf32, #tpu.memory_space<vmem>>, %arg9: memref<256x64xf32, #tpu.memory_space<vmem>>, %arg10: memref<256x64xf32, #tpu.memory_space<vmem>>, %arg11: memref<!tpu.dma_semaphore, #tpu.memory_space<semaphore_mem>>, %arg12: memref<!tpu.dma_semaphore, #tpu.memory_space<semaphore_mem>>, %arg13: memref<!tpu.dma_semaphore, #tpu.memory_space<semaphore_mem>>, %arg14: memref<!tpu.dma_semaphore, #tpu.memory_space<semaphore_mem>>, %arg15: memref<!tpu.dma_semaphore, #tpu.memory_space<semaphore_mem>>, %arg16: memref<!tpu.dma_semaphore, #tpu.memory_space<semaphore_mem>>, %arg17: memref<!tpu.dma_semaphore, #tpu.memory_space<semaphore_mem>>, %arg18: memref<!tpu.dma_semaphore, #tpu.memory_space<semaphore_mem>>, %arg19: memref<!tpu.dma_semaphore, #tpu.memory_space<semaphore_mem>>, %arg20: memref<!tpu.dma_semaphore, #tpu.memory_space<semaphore_mem>>) attributes {dimension_semantics = [#tpu.dimension_semantics<core_parallel>, #tpu.dimension_semantics<subcore_parallel>], iteration_bounds = array<i64: 2, 16>, scalar_prefetch = 0 : i64, scratch_operands = 16 : i64, tpu.core_type = #tpu.core_type<sc_vector_subcore>, window_params = [{transform_indices = #map}, {transform_indices = #map1}, {transform_indices = #map1}]} {
    %mul3A = arith.constant 2 : i32
    %mul3A_0 = arith.muli %arg1, %mul3A : i32
    %add3A = arith.addi %mul3A_0, %arg0 : i32
    "tpu.region"() ({
      %run_scoped3A = tpu.sem_alloc : memref<!tpu.dma_semaphore, #tpu.memory_space<semaphore_mem>>
      %dma_start3A_125 = arith.constant 0 : i32
      %dma_start3A_126 = arith.constant 0 : i32
      %dma_start3A_127 = tpu.memref_slice %arg2[%add3A, %dma_start3A_125, %dma_start3A_126] : memref<32x100x256xi32, #tpu.memory_space<hbm>> -> memref<1x100x256xi32, #tpu.memory_space<hbm>>
      %dma_start3A_128 = tpu.memref_squeeze %dma_start3A_127 : memref<1x100x256xi32, #tpu.memory_space<hbm>> -> memref<100x256xi32, #tpu.memory_space<hbm>>
      %dma_start3A_129 = arith.constant 0 : i32
      %dma_start3A_130 = arith.constant 0 : i32
      %dma_start3A_131 = tpu.memref_slice %arg2[%add3A, %dma_start3A_129, %dma_start3A_130] : memref<32x100x256xi32, #tpu.memory_space<hbm>> -> memref<1x100x256xi32, #tpu.memory_space<hbm>>
      %dma_start3A_132 = tpu.memref_squeeze %dma_start3A_131 : memref<1x100x256xi32, #tpu.memory_space<hbm>> -> memref<100x256xi32, #tpu.memory_space<hbm>>
      tpu.enqueue_dma source(%dma_start3A_132 : memref<100x256xi32, #tpu.memory_space<hbm>>) target(%arg5 : memref<100x256xi32, #tpu.memory_space<vmem>>) target_semaphore(%run_scoped3A : memref<!tpu.dma_semaphore, #tpu.memory_space<semaphore_mem>>)
      %dma_wait3A_133 = arith.constant 0 : i32
      %dma_wait3A_134 = arith.constant 0 : i32
      %dma_wait3A_135 = tpu.memref_slice %arg2[%add3A, %dma_wait3A_133, %dma_wait3A_134] : memref<32x100x256xi32, #tpu.memory_space<hbm>> -> memref<1x100x256xi32, #tpu.memory_space<hbm>>
      %dma_wait3A_136 = tpu.memref_squeeze %dma_wait3A_135 : memref<1x100x256xi32, #tpu.memory_space<hbm>> -> memref<100x256xi32, #tpu.memory_space<hbm>>
      %dma_wait3A_137 = arith.constant 0 : i32
      %dma_wait3A_138 = arith.constant 0 : i32
      %dma_wait3A_139 = tpu.memref_slice %arg2[%add3A, %dma_wait3A_137, %dma_wait3A_138] : memref<32x100x256xi32, #tpu.memory_space<hbm>> -> memref<1x100x256xi32, #tpu.memory_space<hbm>>
      %dma_wait3A_140 = tpu.memref_squeeze %dma_wait3A_139 : memref<1x100x256xi32, #tpu.memory_space<hbm>> -> memref<100x256xi32, #tpu.memory_space<hbm>>
      tpu.wait_dma2 semaphore(%run_scoped3A : memref<!tpu.dma_semaphore, #tpu.memory_space<semaphore_mem>>) src(%dma_wait3A_140 : memref<100x256xi32, #tpu.memory_space<hbm>>) dst(%arg5 : memref<100x256xi32, #tpu.memory_space<vmem>>)
      tpu.yield
    }) : () -> ()
    %mul3A_1 = arith.constant 25600 : i32
    %mul3A_2 = arith.muli %add3A, %mul3A_1 : i32
    %dma_start3A = arith.constant 0 : i32
    %dma_start3A_3 = arith.constant 0 : i32
    %dma_start3A_4 = tpu.memref_slice %arg5[%dma_start3A, %dma_start3A_3] : memref<100x256xi32, #tpu.memory_space<vmem>> -> memref<1x256xi32, #tpu.memory_space<vmem>>
    %dma_start3A_5 = tpu.memref_squeeze %dma_start3A_4 : memref<1x256xi32, #tpu.memory_space<vmem>> -> memref<256xi32, #tpu.memory_space<vmem>>
    %dma_start3A_6 = arith.constant 0 : i32
    %dma_start3A_7 = arith.constant 0 : i32
    %dma_start3A_8 = tpu.memref_slice %arg3[%dma_start3A_6, %dma_start3A_7] : memref<2000000x64xf32, #tpu.memory_space<hbm>> -> memref<2000000x64xf32, #tpu.memory_space<hbm>>
    tpu.enqueue_indirect_dma source(%dma_start3A_8 : memref<2000000x64xf32, #tpu.memory_space<hbm>>) target(%arg6 : memref<256x64xf32, #tpu.memory_space<vmem>>) offsets(%dma_start3A_5 : memref<256xi32, #tpu.memory_space<vmem>>) semaphore(%arg11 : memref<!tpu.dma_semaphore, #tpu.memory_space<semaphore_mem>>)
    %dma_start3A_9 = arith.constant 1 : i32
    %dma_start3A_10 = arith.constant 0 : i32
    %dma_start3A_11 = tpu.memref_slice %arg5[%dma_start3A_9, %dma_start3A_10] : memref<100x256xi32, #tpu.memory_space<vmem>> -> memref<1x256xi32, #tpu.memory_space<vmem>>
    %dma_start3A_12 = tpu.memref_squeeze %dma_start3A_11 : memref<1x256xi32, #tpu.memory_space<vmem>> -> memref<256xi32, #tpu.memory_space<vmem>>
    %dma_start3A_13 = arith.constant 0 : i32
    %dma_start3A_14 = arith.constant 0 : i32
    %dma_start3A_15 = tpu.memref_slice %arg3[%dma_start3A_13, %dma_start3A_14] : memref<2000000x64xf32, #tpu.memory_space<hbm>> -> memref<2000000x64xf32, #tpu.memory_space<hbm>>
    tpu.enqueue_indirect_dma source(%dma_start3A_15 : memref<2000000x64xf32, #tpu.memory_space<hbm>>) target(%arg7 : memref<256x64xf32, #tpu.memory_space<vmem>>) offsets(%dma_start3A_12 : memref<256xi32, #tpu.memory_space<vmem>>) semaphore(%arg12 : memref<!tpu.dma_semaphore, #tpu.memory_space<semaphore_mem>>)
    %dma_start3A_16 = arith.constant 2 : i32
    %dma_start3A_17 = arith.constant 0 : i32
    %dma_start3A_18 = tpu.memref_slice %arg5[%dma_start3A_16, %dma_start3A_17] : memref<100x256xi32, #tpu.memory_space<vmem>> -> memref<1x256xi32, #tpu.memory_space<vmem>>
    %dma_start3A_19 = tpu.memref_squeeze %dma_start3A_18 : memref<1x256xi32, #tpu.memory_space<vmem>> -> memref<256xi32, #tpu.memory_space<vmem>>
    %dma_start3A_20 = arith.constant 0 : i32
    %dma_start3A_21 = arith.constant 0 : i32
    %dma_start3A_22 = tpu.memref_slice %arg3[%dma_start3A_20, %dma_start3A_21] : memref<2000000x64xf32, #tpu.memory_space<hbm>> -> memref<2000000x64xf32, #tpu.memory_space<hbm>>
    tpu.enqueue_indirect_dma source(%dma_start3A_22 : memref<2000000x64xf32, #tpu.memory_space<hbm>>) target(%arg8 : memref<256x64xf32, #tpu.memory_space<vmem>>) offsets(%dma_start3A_19 : memref<256xi32, #tpu.memory_space<vmem>>) semaphore(%arg13 : memref<!tpu.dma_semaphore, #tpu.memory_space<semaphore_mem>>)
    %dma_start3A_23 = arith.constant 3 : i32
    %dma_start3A_24 = arith.constant 0 : i32
    %dma_start3A_25 = tpu.memref_slice %arg5[%dma_start3A_23, %dma_start3A_24] : memref<100x256xi32, #tpu.memory_space<vmem>> -> memref<1x256xi32, #tpu.memory_space<vmem>>
    %dma_start3A_26 = tpu.memref_squeeze %dma_start3A_25 : memref<1x256xi32, #tpu.memory_space<vmem>> -> memref<256xi32, #tpu.memory_space<vmem>>
    %dma_start3A_27 = arith.constant 0 : i32
    %dma_start3A_28 = arith.constant 0 : i32
    %dma_start3A_29 = tpu.memref_slice %arg3[%dma_start3A_27, %dma_start3A_28] : memref<2000000x64xf32, #tpu.memory_space<hbm>> -> memref<2000000x64xf32, #tpu.memory_space<hbm>>
    tpu.enqueue_indirect_dma source(%dma_start3A_29 : memref<2000000x64xf32, #tpu.memory_space<hbm>>) target(%arg9 : memref<256x64xf32, #tpu.memory_space<vmem>>) offsets(%dma_start3A_26 : memref<256xi32, #tpu.memory_space<vmem>>) semaphore(%arg14 : memref<!tpu.dma_semaphore, #tpu.memory_space<semaphore_mem>>)
    %dma_start3A_30 = arith.constant 4 : i32
    %dma_start3A_31 = arith.constant 0 : i32
    %dma_start3A_32 = tpu.memref_slice %arg5[%dma_start3A_30, %dma_start3A_31] : memref<100x256xi32, #tpu.memory_space<vmem>> -> memref<1x256xi32, #tpu.memory_space<vmem>>
    %dma_start3A_33 = tpu.memref_squeeze %dma_start3A_32 : memref<1x256xi32, #tpu.memory_space<vmem>> -> memref<256xi32, #tpu.memory_space<vmem>>
    %dma_start3A_34 = arith.constant 0 : i32
    %dma_start3A_35 = arith.constant 0 : i32
    %dma_start3A_36 = tpu.memref_slice %arg3[%dma_start3A_34, %dma_start3A_35] : memref<2000000x64xf32, #tpu.memory_space<hbm>> -> memref<2000000x64xf32, #tpu.memory_space<hbm>>
    tpu.enqueue_indirect_dma source(%dma_start3A_36 : memref<2000000x64xf32, #tpu.memory_space<hbm>>) target(%arg10 : memref<256x64xf32, #tpu.memory_space<vmem>>) offsets(%dma_start3A_33 : memref<256xi32, #tpu.memory_space<vmem>>) semaphore(%arg15 : memref<!tpu.dma_semaphore, #tpu.memory_space<semaphore_mem>>)
    %dma_wait3A = arith.constant 0 : i32
    %dma_wait3A_37 = arith.constant 0 : i32
    %dma_wait3A_38 = tpu.memref_slice %arg5[%dma_wait3A, %dma_wait3A_37] : memref<100x256xi32, #tpu.memory_space<vmem>> -> memref<1x256xi32, #tpu.memory_space<vmem>>
    %dma_wait3A_39 = tpu.memref_squeeze %dma_wait3A_38 : memref<1x256xi32, #tpu.memory_space<vmem>> -> memref<256xi32, #tpu.memory_space<vmem>>
    %dma_wait3A_40 = arith.constant 0 : i32
    %dma_wait3A_41 = arith.constant 0 : i32
    %dma_wait3A_42 = tpu.memref_slice %arg3[%dma_wait3A_40, %dma_wait3A_41] : memref<2000000x64xf32, #tpu.memory_space<hbm>> -> memref<2000000x64xf32, #tpu.memory_space<hbm>>
    tpu.wait_indirect_dma semaphore(%arg11 : memref<!tpu.dma_semaphore, #tpu.memory_space<semaphore_mem>>) src(%dma_wait3A_42 : memref<2000000x64xf32, #tpu.memory_space<hbm>>) dst(%arg6 : memref<256x64xf32, #tpu.memory_space<vmem>>)
    %add3A_43 = arith.constant 0 : i32
    %add3A_44 = arith.addi %mul3A_2, %add3A_43 : i32
    %dma_start3A_45 = arith.constant 0 : i32
    %dma_start3A_46 = tpu.memref_slice %arg4[%add3A_44, %dma_start3A_45] : memref<819200x128xf32, #tpu.memory_space<hbm>> -> memref<256x64xf32, #tpu.memory_space<hbm>>
    %dma_start3A_47 = arith.constant 0 : i32
    %dma_start3A_48 = tpu.memref_slice %arg4[%add3A_44, %dma_start3A_47] : memref<819200x128xf32, #tpu.memory_space<hbm>> -> memref<256x64xf32, #tpu.memory_space<hbm>>
    tpu.enqueue_dma source(%arg6 : memref<256x64xf32, #tpu.memory_space<vmem>>) target(%dma_start3A_48 : memref<256x64xf32, #tpu.memory_space<hbm>>) target_semaphore(%arg16 : memref<!tpu.dma_semaphore, #tpu.memory_space<semaphore_mem>>)
    %dma_wait3A_49 = arith.constant 1 : i32
    %dma_wait3A_50 = arith.constant 0 : i32
    %dma_wait3A_51 = tpu.memref_slice %arg5[%dma_wait3A_49, %dma_wait3A_50] : memref<100x256xi32, #tpu.memory_space<vmem>> -> memref<1x256xi32, #tpu.memory_space<vmem>>
    %dma_wait3A_52 = tpu.memref_squeeze %dma_wait3A_51 : memref<1x256xi32, #tpu.memory_space<vmem>> -> memref<256xi32, #tpu.memory_space<vmem>>
    %dma_wait3A_53 = arith.constant 0 : i32
    %dma_wait3A_54 = arith.constant 0 : i32
    %dma_wait3A_55 = tpu.memref_slice %arg3[%dma_wait3A_53, %dma_wait3A_54] : memref<2000000x64xf32, #tpu.memory_space<hbm>> -> memref<2000000x64xf32, #tpu.memory_space<hbm>>
    tpu.wait_indirect_dma semaphore(%arg12 : memref<!tpu.dma_semaphore, #tpu.memory_space<semaphore_mem>>) src(%dma_wait3A_55 : memref<2000000x64xf32, #tpu.memory_space<hbm>>) dst(%arg7 : memref<256x64xf32, #tpu.memory_space<vmem>>)
    %add3A_56 = arith.constant 256 : i32
    %add3A_57 = arith.addi %mul3A_2, %add3A_56 : i32
    %dma_start3A_58 = arith.constant 0 : i32
    %dma_start3A_59 = tpu.memref_slice %arg4[%add3A_57, %dma_start3A_58] : memref<819200x128xf32, #tpu.memory_space<hbm>> -> memref<256x64xf32, #tpu.memory_space<hbm>>
    %dma_start3A_60 = arith.constant 0 : i32
    %dma_start3A_61 = tpu.memref_slice %arg4[%add3A_57, %dma_start3A_60] : memref<819200x128xf32, #tpu.memory_space<hbm>> -> memref<256x64xf32, #tpu.memory_space<hbm>>
    tpu.enqueue_dma source(%arg7 : memref<256x64xf32, #tpu.memory_space<vmem>>) target(%dma_start3A_61 : memref<256x64xf32, #tpu.memory_space<hbm>>) target_semaphore(%arg17 : memref<!tpu.dma_semaphore, #tpu.memory_space<semaphore_mem>>)
    %dma_wait3A_62 = arith.constant 2 : i32
    %dma_wait3A_63 = arith.constant 0 : i32
    %dma_wait3A_64 = tpu.memref_slice %arg5[%dma_wait3A_62, %dma_wait3A_63] : memref<100x256xi32, #tpu.memory_space<vmem>> -> memref<1x256xi32, #tpu.memory_space<vmem>>
    %dma_wait3A_65 = tpu.memref_squeeze %dma_wait3A_64 : memref<1x256xi32, #tpu.memory_space<vmem>> -> memref<256xi32, #tpu.memory_space<vmem>>
    %dma_wait3A_66 = arith.constant 0 : i32
    %dma_wait3A_67 = arith.constant 0 : i32
    %dma_wait3A_68 = tpu.memref_slice %arg3[%dma_wait3A_66, %dma_wait3A_67] : memref<2000000x64xf32, #tpu.memory_space<hbm>> -> memref<2000000x64xf32, #tpu.memory_space<hbm>>
    tpu.wait_indirect_dma semaphore(%arg13 : memref<!tpu.dma_semaphore, #tpu.memory_space<semaphore_mem>>) src(%dma_wait3A_68 : memref<2000000x64xf32, #tpu.memory_space<hbm>>) dst(%arg8 : memref<256x64xf32, #tpu.memory_space<vmem>>)
    %add3A_69 = arith.constant 512 : i32
    %add3A_70 = arith.addi %mul3A_2, %add3A_69 : i32
    %dma_start3A_71 = arith.constant 0 : i32
    %dma_start3A_72 = tpu.memref_slice %arg4[%add3A_70, %dma_start3A_71] : memref<819200x128xf32, #tpu.memory_space<hbm>> -> memref<256x64xf32, #tpu.memory_space<hbm>>
    %dma_start3A_73 = arith.constant 0 : i32
    %dma_start3A_74 = tpu.memref_slice %arg4[%add3A_70, %dma_start3A_73] : memref<819200x128xf32, #tpu.memory_space<hbm>> -> memref<256x64xf32, #tpu.memory_space<hbm>>
    tpu.enqueue_dma source(%arg8 : memref<256x64xf32, #tpu.memory_space<vmem>>) target(%dma_start3A_74 : memref<256x64xf32, #tpu.memory_space<hbm>>) target_semaphore(%arg18 : memref<!tpu.dma_semaphore, #tpu.memory_space<semaphore_mem>>)
    %dma_wait3A_75 = arith.constant 3 : i32
    %dma_wait3A_76 = arith.constant 0 : i32
    %dma_wait3A_77 = tpu.memref_slice %arg5[%dma_wait3A_75, %dma_wait3A_76] : memref<100x256xi32, #tpu.memory_space<vmem>> -> memref<1x256xi32, #tpu.memory_space<vmem>>
    %dma_wait3A_78 = tpu.memref_squeeze %dma_wait3A_77 : memref<1x256xi32, #tpu.memory_space<vmem>> -> memref<256xi32, #tpu.memory_space<vmem>>
    %dma_wait3A_79 = arith.constant 0 : i32
    %dma_wait3A_80 = arith.constant 0 : i32
    %dma_wait3A_81 = tpu.memref_slice %arg3[%dma_wait3A_79, %dma_wait3A_80] : memref<2000000x64xf32, #tpu.memory_space<hbm>> -> memref<2000000x64xf32, #tpu.memory_space<hbm>>
    tpu.wait_indirect_dma semaphore(%arg14 : memref<!tpu.dma_semaphore, #tpu.memory_space<semaphore_mem>>) src(%dma_wait3A_81 : memref<2000000x64xf32, #tpu.memory_space<hbm>>) dst(%arg9 : memref<256x64xf32, #tpu.memory_space<vmem>>)
    %add3A_82 = arith.constant 768 : i32
    %add3A_83 = arith.addi %mul3A_2, %add3A_82 : i32
    %dma_start3A_84 = arith.constant 0 : i32
    %dma_start3A_85 = tpu.memref_slice %arg4[%add3A_83, %dma_start3A_84] : memref<819200x128xf32, #tpu.memory_space<hbm>> -> memref<256x64xf32, #tpu.memory_space<hbm>>
    %dma_start3A_86 = arith.constant 0 : i32
    %dma_start3A_87 = tpu.memref_slice %arg4[%add3A_83, %dma_start3A_86] : memref<819200x128xf32, #tpu.memory_space<hbm>> -> memref<256x64xf32, #tpu.memory_space<hbm>>
    tpu.enqueue_dma source(%arg9 : memref<256x64xf32, #tpu.memory_space<vmem>>) target(%dma_start3A_87 : memref<256x64xf32, #tpu.memory_space<hbm>>) target_semaphore(%arg19 : memref<!tpu.dma_semaphore, #tpu.memory_space<semaphore_mem>>)
    %dma_wait3A_88 = arith.constant 4 : i32
    %dma_wait3A_89 = arith.constant 0 : i32
    %dma_wait3A_90 = tpu.memref_slice %arg5[%dma_wait3A_88, %dma_wait3A_89] : memref<100x256xi32, #tpu.memory_space<vmem>> -> memref<1x256xi32, #tpu.memory_space<vmem>>
    %dma_wait3A_91 = tpu.memref_squeeze %dma_wait3A_90 : memref<1x256xi32, #tpu.memory_space<vmem>> -> memref<256xi32, #tpu.memory_space<vmem>>
    %dma_wait3A_92 = arith.constant 0 : i32
    %dma_wait3A_93 = arith.constant 0 : i32
    %dma_wait3A_94 = tpu.memref_slice %arg3[%dma_wait3A_92, %dma_wait3A_93] : memref<2000000x64xf32, #tpu.memory_space<hbm>> -> memref<2000000x64xf32, #tpu.memory_space<hbm>>
    tpu.wait_indirect_dma semaphore(%arg15 : memref<!tpu.dma_semaphore, #tpu.memory_space<semaphore_mem>>) src(%dma_wait3A_94 : memref<2000000x64xf32, #tpu.memory_space<hbm>>) dst(%arg10 : memref<256x64xf32, #tpu.memory_space<vmem>>)
    %add3A_95 = arith.constant 1024 : i32
    %add3A_96 = arith.addi %mul3A_2, %add3A_95 : i32
    %dma_start3A_97 = arith.constant 0 : i32
    %dma_start3A_98 = tpu.memref_slice %arg4[%add3A_96, %dma_start3A_97] : memref<819200x128xf32, #tpu.memory_space<hbm>> -> memref<256x64xf32, #tpu.memory_space<hbm>>
    %dma_start3A_99 = arith.constant 0 : i32
    %dma_start3A_100 = tpu.memref_slice %arg4[%add3A_96, %dma_start3A_99] : memref<819200x128xf32, #tpu.memory_space<hbm>> -> memref<256x64xf32, #tpu.memory_space<hbm>>
    tpu.enqueue_dma source(%arg10 : memref<256x64xf32, #tpu.memory_space<vmem>>) target(%dma_start3A_100 : memref<256x64xf32, #tpu.memory_space<hbm>>) target_semaphore(%arg20 : memref<!tpu.dma_semaphore, #tpu.memory_space<semaphore_mem>>)
    %scan3A = arith.constant 0 : i32
    %scan3A_101 = arith.constant 19 : i32
    %scan3A_102 = arith.addi %scan3A, %scan3A_101 : i32
    %scan3A_103 = arith.constant 1 : i32
    scf.for %scan3A_125 = %scan3A to %scan3A_102 step %scan3A_103  : i32 {
      %mul3A_126 = arith.constant 1 : i32
      %mul3A_127 = arith.muli %scan3A_125, %mul3A_126 : i32
      %add3A_128 = arith.constant 1 : i32
      %add3A_129 = arith.addi %add3A_128, %mul3A_127 : i32
      %dma_wait3A_130 = arith.constant 0 : i32
      %dma_wait3A_131 = tpu.memref_slice %arg4[%mul3A_2, %dma_wait3A_130] : memref<819200x128xf32, #tpu.memory_space<hbm>> -> memref<256x64xf32, #tpu.memory_space<hbm>>
      %dma_wait3A_132 = arith.constant 0 : i32
      %dma_wait3A_133 = tpu.memref_slice %arg4[%mul3A_2, %dma_wait3A_132] : memref<819200x128xf32, #tpu.memory_space<hbm>> -> memref<256x64xf32, #tpu.memory_space<hbm>>
      tpu.wait_dma2 semaphore(%arg16 : memref<!tpu.dma_semaphore, #tpu.memory_space<semaphore_mem>>) src(%arg6 : memref<256x64xf32, #tpu.memory_space<vmem>>) dst(%dma_wait3A_133 : memref<256x64xf32, #tpu.memory_space<hbm>>)
      %mul3A_134 = arith.constant 5 : i32
      %mul3A_135 = arith.muli %add3A_129, %mul3A_134 : i32
      %add3A_136 = arith.constant 0 : i32
      %add3A_137 = arith.addi %mul3A_135, %add3A_136 : i32
      %dma_start3A_138 = arith.constant 0 : i32
      %dma_start3A_139 = tpu.memref_slice %arg5[%add3A_137, %dma_start3A_138] : memref<100x256xi32, #tpu.memory_space<vmem>> -> memref<1x256xi32, #tpu.memory_space<vmem>>
      %dma_start3A_140 = tpu.memref_squeeze %dma_start3A_139 : memref<1x256xi32, #tpu.memory_space<vmem>> -> memref<256xi32, #tpu.memory_space<vmem>>
      %dma_start3A_141 = arith.constant 0 : i32
      %dma_start3A_142 = arith.constant 0 : i32
      %dma_start3A_143 = tpu.memref_slice %arg3[%dma_start3A_141, %dma_start3A_142] : memref<2000000x64xf32, #tpu.memory_space<hbm>> -> memref<2000000x64xf32, #tpu.memory_space<hbm>>
      tpu.enqueue_indirect_dma source(%dma_start3A_143 : memref<2000000x64xf32, #tpu.memory_space<hbm>>) target(%arg6 : memref<256x64xf32, #tpu.memory_space<vmem>>) offsets(%dma_start3A_140 : memref<256xi32, #tpu.memory_space<vmem>>) semaphore(%arg11 : memref<!tpu.dma_semaphore, #tpu.memory_space<semaphore_mem>>)
      %dma_wait3A_144 = arith.constant 0 : i32
      %dma_wait3A_145 = tpu.memref_slice %arg4[%mul3A_2, %dma_wait3A_144] : memref<819200x128xf32, #tpu.memory_space<hbm>> -> memref<256x64xf32, #tpu.memory_space<hbm>>
      %dma_wait3A_146 = arith.constant 0 : i32
      %dma_wait3A_147 = tpu.memref_slice %arg4[%mul3A_2, %dma_wait3A_146] : memref<819200x128xf32, #tpu.memory_space<hbm>> -> memref<256x64xf32, #tpu.memory_space<hbm>>
      tpu.wait_dma2 semaphore(%arg17 : memref<!tpu.dma_semaphore, #tpu.memory_space<semaphore_mem>>) src(%arg7 : memref<256x64xf32, #tpu.memory_space<vmem>>) dst(%dma_wait3A_147 : memref<256x64xf32, #tpu.memory_space<hbm>>)
      %mul3A_148 = arith.constant 5 : i32
      %mul3A_149 = arith.muli %add3A_129, %mul3A_148 : i32
      %add3A_150 = arith.constant 1 : i32
      %add3A_151 = arith.addi %mul3A_149, %add3A_150 : i32
      %dma_start3A_152 = arith.constant 0 : i32
      %dma_start3A_153 = tpu.memref_slice %arg5[%add3A_151, %dma_start3A_152] : memref<100x256xi32, #tpu.memory_space<vmem>> -> memref<1x256xi32, #tpu.memory_space<vmem>>
      %dma_start3A_154 = tpu.memref_squeeze %dma_start3A_153 : memref<1x256xi32, #tpu.memory_space<vmem>> -> memref<256xi32, #tpu.memory_space<vmem>>
      %dma_start3A_155 = arith.constant 0 : i32
      %dma_start3A_156 = arith.constant 0 : i32
      %dma_start3A_157 = tpu.memref_slice %arg3[%dma_start3A_155, %dma_start3A_156] : memref<2000000x64xf32, #tpu.memory_space<hbm>> -> memref<2000000x64xf32, #tpu.memory_space<hbm>>
      tpu.enqueue_indirect_dma source(%dma_start3A_157 : memref<2000000x64xf32, #tpu.memory_space<hbm>>) target(%arg7 : memref<256x64xf32, #tpu.memory_space<vmem>>) offsets(%dma_start3A_154 : memref<256xi32, #tpu.memory_space<vmem>>) semaphore(%arg12 : memref<!tpu.dma_semaphore, #tpu.memory_space<semaphore_mem>>)
      %dma_wait3A_158 = arith.constant 0 : i32
      %dma_wait3A_159 = tpu.memref_slice %arg4[%mul3A_2, %dma_wait3A_158] : memref<819200x128xf32, #tpu.memory_space<hbm>> -> memref<256x64xf32, #tpu.memory_space<hbm>>
      %dma_wait3A_160 = arith.constant 0 : i32
      %dma_wait3A_161 = tpu.memref_slice %arg4[%mul3A_2, %dma_wait3A_160] : memref<819200x128xf32, #tpu.memory_space<hbm>> -> memref<256x64xf32, #tpu.memory_space<hbm>>
      tpu.wait_dma2 semaphore(%arg18 : memref<!tpu.dma_semaphore, #tpu.memory_space<semaphore_mem>>) src(%arg8 : memref<256x64xf32, #tpu.memory_space<vmem>>) dst(%dma_wait3A_161 : memref<256x64xf32, #tpu.memory_space<hbm>>)
      %mul3A_162 = arith.constant 5 : i32
      %mul3A_163 = arith.muli %add3A_129, %mul3A_162 : i32
      %add3A_164 = arith.constant 2 : i32
      %add3A_165 = arith.addi %mul3A_163, %add3A_164 : i32
      %dma_start3A_166 = arith.constant 0 : i32
      %dma_start3A_167 = tpu.memref_slice %arg5[%add3A_165, %dma_start3A_166] : memref<100x256xi32, #tpu.memory_space<vmem>> -> memref<1x256xi32, #tpu.memory_space<vmem>>
      %dma_start3A_168 = tpu.memref_squeeze %dma_start3A_167 : memref<1x256xi32, #tpu.memory_space<vmem>> -> memref<256xi32, #tpu.memory_space<vmem>>
      %dma_start3A_169 = arith.constant 0 : i32
      %dma_start3A_170 = arith.constant 0 : i32
      %dma_start3A_171 = tpu.memref_slice %arg3[%dma_start3A_169, %dma_start3A_170] : memref<2000000x64xf32, #tpu.memory_space<hbm>> -> memref<2000000x64xf32, #tpu.memory_space<hbm>>
      tpu.enqueue_indirect_dma source(%dma_start3A_171 : memref<2000000x64xf32, #tpu.memory_space<hbm>>) target(%arg8 : memref<256x64xf32, #tpu.memory_space<vmem>>) offsets(%dma_start3A_168 : memref<256xi32, #tpu.memory_space<vmem>>) semaphore(%arg13 : memref<!tpu.dma_semaphore, #tpu.memory_space<semaphore_mem>>)
      %dma_wait3A_172 = arith.constant 0 : i32
      %dma_wait3A_173 = tpu.memref_slice %arg4[%mul3A_2, %dma_wait3A_172] : memref<819200x128xf32, #tpu.memory_space<hbm>> -> memref<256x64xf32, #tpu.memory_space<hbm>>
      %dma_wait3A_174 = arith.constant 0 : i32
      %dma_wait3A_175 = tpu.memref_slice %arg4[%mul3A_2, %dma_wait3A_174] : memref<819200x128xf32, #tpu.memory_space<hbm>> -> memref<256x64xf32, #tpu.memory_space<hbm>>
      tpu.wait_dma2 semaphore(%arg19 : memref<!tpu.dma_semaphore, #tpu.memory_space<semaphore_mem>>) src(%arg9 : memref<256x64xf32, #tpu.memory_space<vmem>>) dst(%dma_wait3A_175 : memref<256x64xf32, #tpu.memory_space<hbm>>)
      %mul3A_176 = arith.constant 5 : i32
      %mul3A_177 = arith.muli %add3A_129, %mul3A_176 : i32
      %add3A_178 = arith.constant 3 : i32
      %add3A_179 = arith.addi %mul3A_177, %add3A_178 : i32
      %dma_start3A_180 = arith.constant 0 : i32
      %dma_start3A_181 = tpu.memref_slice %arg5[%add3A_179, %dma_start3A_180] : memref<100x256xi32, #tpu.memory_space<vmem>> -> memref<1x256xi32, #tpu.memory_space<vmem>>
      %dma_start3A_182 = tpu.memref_squeeze %dma_start3A_181 : memref<1x256xi32, #tpu.memory_space<vmem>> -> memref<256xi32, #tpu.memory_space<vmem>>
      %dma_start3A_183 = arith.constant 0 : i32
      %dma_start3A_184 = arith.constant 0 : i32
      %dma_start3A_185 = tpu.memref_slice %arg3[%dma_start3A_183, %dma_start3A_184] : memref<2000000x64xf32, #tpu.memory_space<hbm>> -> memref<2000000x64xf32, #tpu.memory_space<hbm>>
      tpu.enqueue_indirect_dma source(%dma_start3A_185 : memref<2000000x64xf32, #tpu.memory_space<hbm>>) target(%arg9 : memref<256x64xf32, #tpu.memory_space<vmem>>) offsets(%dma_start3A_182 : memref<256xi32, #tpu.memory_space<vmem>>) semaphore(%arg14 : memref<!tpu.dma_semaphore, #tpu.memory_space<semaphore_mem>>)
      %dma_wait3A_186 = arith.constant 0 : i32
      %dma_wait3A_187 = tpu.memref_slice %arg4[%mul3A_2, %dma_wait3A_186] : memref<819200x128xf32, #tpu.memory_space<hbm>> -> memref<256x64xf32, #tpu.memory_space<hbm>>
      %dma_wait3A_188 = arith.constant 0 : i32
      %dma_wait3A_189 = tpu.memref_slice %arg4[%mul3A_2, %dma_wait3A_188] : memref<819200x128xf32, #tpu.memory_space<hbm>> -> memref<256x64xf32, #tpu.memory_space<hbm>>
      tpu.wait_dma2 semaphore(%arg20 : memref<!tpu.dma_semaphore, #tpu.memory_space<semaphore_mem>>) src(%arg10 : memref<256x64xf32, #tpu.memory_space<vmem>>) dst(%dma_wait3A_189 : memref<256x64xf32, #tpu.memory_space<hbm>>)
      %mul3A_190 = arith.constant 5 : i32
      %mul3A_191 = arith.muli %add3A_129, %mul3A_190 : i32
      %add3A_192 = arith.constant 4 : i32
      %add3A_193 = arith.addi %mul3A_191, %add3A_192 : i32
      %dma_start3A_194 = arith.constant 0 : i32
      %dma_start3A_195 = tpu.memref_slice %arg5[%add3A_193, %dma_start3A_194] : memref<100x256xi32, #tpu.memory_space<vmem>> -> memref<1x256xi32, #tpu.memory_space<vmem>>
      %dma_start3A_196 = tpu.memref_squeeze %dma_start3A_195 : memref<1x256xi32, #tpu.memory_space<vmem>> -> memref<256xi32, #tpu.memory_space<vmem>>
      %dma_start3A_197 = arith.constant 0 : i32
      %dma_start3A_198 = arith.constant 0 : i32
      %dma_start3A_199 = tpu.memref_slice %arg3[%dma_start3A_197, %dma_start3A_198] : memref<2000000x64xf32, #tpu.memory_space<hbm>> -> memref<2000000x64xf32, #tpu.memory_space<hbm>>
      tpu.enqueue_indirect_dma source(%dma_start3A_199 : memref<2000000x64xf32, #tpu.memory_space<hbm>>) target(%arg10 : memref<256x64xf32, #tpu.memory_space<vmem>>) offsets(%dma_start3A_196 : memref<256xi32, #tpu.memory_space<vmem>>) semaphore(%arg15 : memref<!tpu.dma_semaphore, #tpu.memory_space<semaphore_mem>>)
      %mul3A_200 = arith.constant 5 : i32
      %mul3A_201 = arith.muli %add3A_129, %mul3A_200 : i32
      %add3A_202 = arith.constant 0 : i32
      %add3A_203 = arith.addi %mul3A_201, %add3A_202 : i32
      %dma_wait3A_204 = arith.constant 0 : i32
      %dma_wait3A_205 = tpu.memref_slice %arg5[%add3A_203, %dma_wait3A_204] : memref<100x256xi32, #tpu.memory_space<vmem>> -> memref<1x256xi32, #tpu.memory_space<vmem>>
      %dma_wait3A_206 = tpu.memref_squeeze %dma_wait3A_205 : memref<1x256xi32, #tpu.memory_space<vmem>> -> memref<256xi32, #tpu.memory_space<vmem>>
      %dma_wait3A_207 = arith.constant 0 : i32
      %dma_wait3A_208 = arith.constant 0 : i32
      %dma_wait3A_209 = tpu.memref_slice %arg3[%dma_wait3A_207, %dma_wait3A_208] : memref<2000000x64xf32, #tpu.memory_space<hbm>> -> memref<2000000x64xf32, #tpu.memory_space<hbm>>
      tpu.wait_indirect_dma semaphore(%arg11 : memref<!tpu.dma_semaphore, #tpu.memory_space<semaphore_mem>>) src(%dma_wait3A_209 : memref<2000000x64xf32, #tpu.memory_space<hbm>>) dst(%arg6 : memref<256x64xf32, #tpu.memory_space<vmem>>)
      %mul3A_210 = arith.constant 5 : i32
      %mul3A_211 = arith.muli %add3A_129, %mul3A_210 : i32
      %add3A_212 = arith.constant 0 : i32
      %add3A_213 = arith.addi %mul3A_211, %add3A_212 : i32
      %mul3A_214 = arith.constant 256 : i32
      %mul3A_215 = arith.muli %add3A_213, %mul3A_214 : i32
      %add3A_216 = arith.addi %mul3A_2, %mul3A_215 : i32
      %dma_start3A_217 = arith.constant 0 : i32
      %dma_start3A_218 = tpu.memref_slice %arg4[%add3A_216, %dma_start3A_217] : memref<819200x128xf32, #tpu.memory_space<hbm>> -> memref<256x64xf32, #tpu.memory_space<hbm>>
      %dma_start3A_219 = arith.constant 0 : i32
      %dma_start3A_220 = tpu.memref_slice %arg4[%add3A_216, %dma_start3A_219] : memref<819200x128xf32, #tpu.memory_space<hbm>> -> memref<256x64xf32, #tpu.memory_space<hbm>>
      tpu.enqueue_dma source(%arg6 : memref<256x64xf32, #tpu.memory_space<vmem>>) target(%dma_start3A_220 : memref<256x64xf32, #tpu.memory_space<hbm>>) target_semaphore(%arg16 : memref<!tpu.dma_semaphore, #tpu.memory_space<semaphore_mem>>)
      %mul3A_221 = arith.constant 5 : i32
      %mul3A_222 = arith.muli %add3A_129, %mul3A_221 : i32
      %add3A_223 = arith.constant 1 : i32
      %add3A_224 = arith.addi %mul3A_222, %add3A_223 : i32
      %dma_wait3A_225 = arith.constant 0 : i32
      %dma_wait3A_226 = tpu.memref_slice %arg5[%add3A_224, %dma_wait3A_225] : memref<100x256xi32, #tpu.memory_space<vmem>> -> memref<1x256xi32, #tpu.memory_space<vmem>>
      %dma_wait3A_227 = tpu.memref_squeeze %dma_wait3A_226 : memref<1x256xi32, #tpu.memory_space<vmem>> -> memref<256xi32, #tpu.memory_space<vmem>>
      %dma_wait3A_228 = arith.constant 0 : i32
      %dma_wait3A_229 = arith.constant 0 : i32
      %dma_wait3A_230 = tpu.memref_slice %arg3[%dma_wait3A_228, %dma_wait3A_229] : memref<2000000x64xf32, #tpu.memory_space<hbm>> -> memref<2000000x64xf32, #tpu.memory_space<hbm>>
      tpu.wait_indirect_dma semaphore(%arg12 : memref<!tpu.dma_semaphore, #tpu.memory_space<semaphore_mem>>) src(%dma_wait3A_230 : memref<2000000x64xf32, #tpu.memory_space<hbm>>) dst(%arg7 : memref<256x64xf32, #tpu.memory_space<vmem>>)
      %mul3A_231 = arith.constant 5 : i32
      %mul3A_232 = arith.muli %add3A_129, %mul3A_231 : i32
      %add3A_233 = arith.constant 1 : i32
      %add3A_234 = arith.addi %mul3A_232, %add3A_233 : i32
      %mul3A_235 = arith.constant 256 : i32
      %mul3A_236 = arith.muli %add3A_234, %mul3A_235 : i32
      %add3A_237 = arith.addi %mul3A_2, %mul3A_236 : i32
      %dma_start3A_238 = arith.constant 0 : i32
      %dma_start3A_239 = tpu.memref_slice %arg4[%add3A_237, %dma_start3A_238] : memref<819200x128xf32, #tpu.memory_space<hbm>> -> memref<256x64xf32, #tpu.memory_space<hbm>>
      %dma_start3A_240 = arith.constant 0 : i32
      %dma_start3A_241 = tpu.memref_slice %arg4[%add3A_237, %dma_start3A_240] : memref<819200x128xf32, #tpu.memory_space<hbm>> -> memref<256x64xf32, #tpu.memory_space<hbm>>
      tpu.enqueue_dma source(%arg7 : memref<256x64xf32, #tpu.memory_space<vmem>>) target(%dma_start3A_241 : memref<256x64xf32, #tpu.memory_space<hbm>>) target_semaphore(%arg17 : memref<!tpu.dma_semaphore, #tpu.memory_space<semaphore_mem>>)
      %mul3A_242 = arith.constant 5 : i32
      %mul3A_243 = arith.muli %add3A_129, %mul3A_242 : i32
      %add3A_244 = arith.constant 2 : i32
      %add3A_245 = arith.addi %mul3A_243, %add3A_244 : i32
      %dma_wait3A_246 = arith.constant 0 : i32
      %dma_wait3A_247 = tpu.memref_slice %arg5[%add3A_245, %dma_wait3A_246] : memref<100x256xi32, #tpu.memory_space<vmem>> -> memref<1x256xi32, #tpu.memory_space<vmem>>
      %dma_wait3A_248 = tpu.memref_squeeze %dma_wait3A_247 : memref<1x256xi32, #tpu.memory_space<vmem>> -> memref<256xi32, #tpu.memory_space<vmem>>
      %dma_wait3A_249 = arith.constant 0 : i32
      %dma_wait3A_250 = arith.constant 0 : i32
      %dma_wait3A_251 = tpu.memref_slice %arg3[%dma_wait3A_249, %dma_wait3A_250] : memref<2000000x64xf32, #tpu.memory_space<hbm>> -> memref<2000000x64xf32, #tpu.memory_space<hbm>>
      tpu.wait_indirect_dma semaphore(%arg13 : memref<!tpu.dma_semaphore, #tpu.memory_space<semaphore_mem>>) src(%dma_wait3A_251 : memref<2000000x64xf32, #tpu.memory_space<hbm>>) dst(%arg8 : memref<256x64xf32, #tpu.memory_space<vmem>>)
      %mul3A_252 = arith.constant 5 : i32
      %mul3A_253 = arith.muli %add3A_129, %mul3A_252 : i32
      %add3A_254 = arith.constant 2 : i32
      %add3A_255 = arith.addi %mul3A_253, %add3A_254 : i32
      %mul3A_256 = arith.constant 256 : i32
      %mul3A_257 = arith.muli %add3A_255, %mul3A_256 : i32
      %add3A_258 = arith.addi %mul3A_2, %mul3A_257 : i32
      %dma_start3A_259 = arith.constant 0 : i32
      %dma_start3A_260 = tpu.memref_slice %arg4[%add3A_258, %dma_start3A_259] : memref<819200x128xf32, #tpu.memory_space<hbm>> -> memref<256x64xf32, #tpu.memory_space<hbm>>
      %dma_start3A_261 = arith.constant 0 : i32
      %dma_start3A_262 = tpu.memref_slice %arg4[%add3A_258, %dma_start3A_261] : memref<819200x128xf32, #tpu.memory_space<hbm>> -> memref<256x64xf32, #tpu.memory_space<hbm>>
      tpu.enqueue_dma source(%arg8 : memref<256x64xf32, #tpu.memory_space<vmem>>) target(%dma_start3A_262 : memref<256x64xf32, #tpu.memory_space<hbm>>) target_semaphore(%arg18 : memref<!tpu.dma_semaphore, #tpu.memory_space<semaphore_mem>>)
      %mul3A_263 = arith.constant 5 : i32
      %mul3A_264 = arith.muli %add3A_129, %mul3A_263 : i32
      %add3A_265 = arith.constant 3 : i32
      %add3A_266 = arith.addi %mul3A_264, %add3A_265 : i32
      %dma_wait3A_267 = arith.constant 0 : i32
      %dma_wait3A_268 = tpu.memref_slice %arg5[%add3A_266, %dma_wait3A_267] : memref<100x256xi32, #tpu.memory_space<vmem>> -> memref<1x256xi32, #tpu.memory_space<vmem>>
      %dma_wait3A_269 = tpu.memref_squeeze %dma_wait3A_268 : memref<1x256xi32, #tpu.memory_space<vmem>> -> memref<256xi32, #tpu.memory_space<vmem>>
      %dma_wait3A_270 = arith.constant 0 : i32
      %dma_wait3A_271 = arith.constant 0 : i32
      %dma_wait3A_272 = tpu.memref_slice %arg3[%dma_wait3A_270, %dma_wait3A_271] : memref<2000000x64xf32, #tpu.memory_space<hbm>> -> memref<2000000x64xf32, #tpu.memory_space<hbm>>
      tpu.wait_indirect_dma semaphore(%arg14 : memref<!tpu.dma_semaphore, #tpu.memory_space<semaphore_mem>>) src(%dma_wait3A_272 : memref<2000000x64xf32, #tpu.memory_space<hbm>>) dst(%arg9 : memref<256x64xf32, #tpu.memory_space<vmem>>)
      %mul3A_273 = arith.constant 5 : i32
      %mul3A_274 = arith.muli %add3A_129, %mul3A_273 : i32
      %add3A_275 = arith.constant 3 : i32
      %add3A_276 = arith.addi %mul3A_274, %add3A_275 : i32
      %mul3A_277 = arith.constant 256 : i32
      %mul3A_278 = arith.muli %add3A_276, %mul3A_277 : i32
      %add3A_279 = arith.addi %mul3A_2, %mul3A_278 : i32
      %dma_start3A_280 = arith.constant 0 : i32
      %dma_start3A_281 = tpu.memref_slice %arg4[%add3A_279, %dma_start3A_280] : memref<819200x128xf32, #tpu.memory_space<hbm>> -> memref<256x64xf32, #tpu.memory_space<hbm>>
      %dma_start3A_282 = arith.constant 0 : i32
      %dma_start3A_283 = tpu.memref_slice %arg4[%add3A_279, %dma_start3A_282] : memref<819200x128xf32, #tpu.memory_space<hbm>> -> memref<256x64xf32, #tpu.memory_space<hbm>>
      tpu.enqueue_dma source(%arg9 : memref<256x64xf32, #tpu.memory_space<vmem>>) target(%dma_start3A_283 : memref<256x64xf32, #tpu.memory_space<hbm>>) target_semaphore(%arg19 : memref<!tpu.dma_semaphore, #tpu.memory_space<semaphore_mem>>)
      %mul3A_284 = arith.constant 5 : i32
      %mul3A_285 = arith.muli %add3A_129, %mul3A_284 : i32
      %add3A_286 = arith.constant 4 : i32
      %add3A_287 = arith.addi %mul3A_285, %add3A_286 : i32
      %dma_wait3A_288 = arith.constant 0 : i32
      %dma_wait3A_289 = tpu.memref_slice %arg5[%add3A_287, %dma_wait3A_288] : memref<100x256xi32, #tpu.memory_space<vmem>> -> memref<1x256xi32, #tpu.memory_space<vmem>>
      %dma_wait3A_290 = tpu.memref_squeeze %dma_wait3A_289 : memref<1x256xi32, #tpu.memory_space<vmem>> -> memref<256xi32, #tpu.memory_space<vmem>>
      %dma_wait3A_291 = arith.constant 0 : i32
      %dma_wait3A_292 = arith.constant 0 : i32
      %dma_wait3A_293 = tpu.memref_slice %arg3[%dma_wait3A_291, %dma_wait3A_292] : memref<2000000x64xf32, #tpu.memory_space<hbm>> -> memref<2000000x64xf32, #tpu.memory_space<hbm>>
      tpu.wait_indirect_dma semaphore(%arg15 : memref<!tpu.dma_semaphore, #tpu.memory_space<semaphore_mem>>) src(%dma_wait3A_293 : memref<2000000x64xf32, #tpu.memory_space<hbm>>) dst(%arg10 : memref<256x64xf32, #tpu.memory_space<vmem>>)
      %mul3A_294 = arith.constant 5 : i32
      %mul3A_295 = arith.muli %add3A_129, %mul3A_294 : i32
      %add3A_296 = arith.constant 4 : i32
      %add3A_297 = arith.addi %mul3A_295, %add3A_296 : i32
      %mul3A_298 = arith.constant 256 : i32
      %mul3A_299 = arith.muli %add3A_297, %mul3A_298 : i32
      %add3A_300 = arith.addi %mul3A_2, %mul3A_299 : i32
      %dma_start3A_301 = arith.constant 0 : i32
      %dma_start3A_302 = tpu.memref_slice %arg4[%add3A_300, %dma_start3A_301] : memref<819200x128xf32, #tpu.memory_space<hbm>> -> memref<256x64xf32, #tpu.memory_space<hbm>>
      %dma_start3A_303 = arith.constant 0 : i32
      %dma_start3A_304 = tpu.memref_slice %arg4[%add3A_300, %dma_start3A_303] : memref<819200x128xf32, #tpu.memory_space<hbm>> -> memref<256x64xf32, #tpu.memory_space<hbm>>
      tpu.enqueue_dma source(%arg10 : memref<256x64xf32, #tpu.memory_space<vmem>>) target(%dma_start3A_304 : memref<256x64xf32, #tpu.memory_space<hbm>>) target_semaphore(%arg20 : memref<!tpu.dma_semaphore, #tpu.memory_space<semaphore_mem>>)
    }
    %scan3A_104 = arith.constant 19 : i32
    %dma_wait3A_105 = arith.constant 0 : i32
    %dma_wait3A_106 = tpu.memref_slice %arg4[%mul3A_2, %dma_wait3A_105] : memref<819200x128xf32, #tpu.memory_space<hbm>> -> memref<256x64xf32, #tpu.memory_space<hbm>>
    %dma_wait3A_107 = arith.constant 0 : i32
    %dma_wait3A_108 = tpu.memref_slice %arg4[%mul3A_2, %dma_wait3A_107] : memref<819200x128xf32, #tpu.memory_space<hbm>> -> memref<256x64xf32, #tpu.memory_space<hbm>>
    tpu.wait_dma2 semaphore(%arg16 : memref<!tpu.dma_semaphore, #tpu.memory_space<semaphore_mem>>) src(%arg6 : memref<256x64xf32, #tpu.memory_space<vmem>>) dst(%dma_wait3A_108 : memref<256x64xf32, #tpu.memory_space<hbm>>)
    %dma_wait3A_109 = arith.constant 0 : i32
    %dma_wait3A_110 = tpu.memref_slice %arg4[%mul3A_2, %dma_wait3A_109] : memref<819200x128xf32, #tpu.memory_space<hbm>> -> memref<256x64xf32, #tpu.memory_space<hbm>>
    %dma_wait3A_111 = arith.constant 0 : i32
    %dma_wait3A_112 = tpu.memref_slice %arg4[%mul3A_2, %dma_wait3A_111] : memref<819200x128xf32, #tpu.memory_space<hbm>> -> memref<256x64xf32, #tpu.memory_space<hbm>>
    tpu.wait_dma2 semaphore(%arg17 : memref<!tpu.dma_semaphore, #tpu.memory_space<semaphore_mem>>) src(%arg7 : memref<256x64xf32, #tpu.memory_space<vmem>>) dst(%dma_wait3A_112 : memref<256x64xf32, #tpu.memory_space<hbm>>)
    %dma_wait3A_113 = arith.constant 0 : i32
    %dma_wait3A_114 = tpu.memref_slice %arg4[%mul3A_2, %dma_wait3A_113] : memref<819200x128xf32, #tpu.memory_space<hbm>> -> memref<256x64xf32, #tpu.memory_space<hbm>>
    %dma_wait3A_115 = arith.constant 0 : i32
    %dma_wait3A_116 = tpu.memref_slice %arg4[%mul3A_2, %dma_wait3A_115] : memref<819200x128xf32, #tpu.memory_space<hbm>> -> memref<256x64xf32, #tpu.memory_space<hbm>>
    tpu.wait_dma2 semaphore(%arg18 : memref<!tpu.dma_semaphore, #tpu.memory_space<semaphore_mem>>) src(%arg8 : memref<256x64xf32, #tpu.memory_space<vmem>>) dst(%dma_wait3A_116 : memref<256x64xf32, #tpu.memory_space<hbm>>)
    %dma_wait3A_117 = arith.constant 0 : i32
    %dma_wait3A_118 = tpu.memref_slice %arg4[%mul3A_2, %dma_wait3A_117] : memref<819200x128xf32, #tpu.memory_space<hbm>> -> memref<256x64xf32, #tpu.memory_space<hbm>>
    %dma_wait3A_119 = arith.constant 0 : i32
    %dma_wait3A_120 = tpu.memref_slice %arg4[%mul3A_2, %dma_wait3A_119] : memref<819200x128xf32, #tpu.memory_space<hbm>> -> memref<256x64xf32, #tpu.memory_space<hbm>>
    tpu.wait_dma2 semaphore(%arg19 : memref<!tpu.dma_semaphore, #tpu.memory_space<semaphore_mem>>) src(%arg9 : memref<256x64xf32, #tpu.memory_space<vmem>>) dst(%dma_wait3A_120 : memref<256x64xf32, #tpu.memory_space<hbm>>)
    %dma_wait3A_121 = arith.constant 0 : i32
    %dma_wait3A_122 = tpu.memref_slice %arg4[%mul3A_2, %dma_wait3A_121] : memref<819200x128xf32, #tpu.memory_space<hbm>> -> memref<256x64xf32, #tpu.memory_space<hbm>>
    %dma_wait3A_123 = arith.constant 0 : i32
    %dma_wait3A_124 = tpu.memref_slice %arg4[%mul3A_2, %dma_wait3A_123] : memref<819200x128xf32, #tpu.memory_space<hbm>> -> memref<256x64xf32, #tpu.memory_space<hbm>>
    tpu.wait_dma2 semaphore(%arg20 : memref<!tpu.dma_semaphore, #tpu.memory_space<semaphore_mem>>) src(%arg10 : memref<256x64xf32, #tpu.memory_space<vmem>>) dst(%dma_wait3A_124 : memref<256x64xf32, #tpu.memory_space<hbm>>)
    return
  }
}

</mosaic_0001>

<sc_bundles>
// kernel: _gather.3.cloned.1.call-start
scs
__scs_entry_jumppad:
0x0: {  	(pc) =	sbr.rel $0x88, $3  }
0x1: {  	(tag) =	ssettag $0x0;
	lr =	simm.s32 $0x1  }
0x2: {  	[smem:$0x3F9F] =	sst lr;
	_ =	strace $0xD0000000  }
0x3: {  	_ = 	snop  }
0x4: {  	_ = 	snop  }
0x5: {  	_ = 	snop  }
0x6: {  	_ = 	snop  }
0x7: {  	_ = 	snop  }
__scs_overlays_trampoline_lowered:
0x8: {  	[smem:$0x3FAE] =	sst s0  }
0x9: {  	[smem:$0x3FAF] =	sst s1  }
0xa: {  	[smem:$0x3FB0] =	sst s2  }
0xb: {  	[smem:$0x3FB1] =	sst s3  }
0xc: {  	[smem:$0x3FB2] =	sst s4  }
0xd: {  	[smem:$0x3FB3] =	sst s5  }
0xe: {  	[smem:$0x3FB4] =	sst s6  }
0xf: {  	[smem:$0x3FB5] =	sst s7  }
0x10: {  	[smem:$0x3FB6] =	sst s8  }
0x11: {  	[smem:$0x3FB7] =	sst s9;
	s0 =	simm.s32 @!p0 $0x0  }
0x12: {  	s1 =	sld [smem:$0x3F9D];
	s0 =	simm.s32 @p0 $0x1  }
0x13: {  	[smem:$0x3FB8] =	sst s0;
	s0 =	simm.s32 @!p1 $0x0  }
0x14: {  	s2 =	sld [smem:$0x3F9C];
	s0 =	simm.s32 @p1 $0x1  }
0x15: {  	[smem:$0x3FB9] =	sst s0;
	s0 =	simm.s32 @!p2 $0x0  }
0x16: {  	s3 =	sld [smem:$0x3FDB];
	s0 =	simm.s32 @p2 $0x1  }
0x17: {  	s4 =	simm.s32 $0x1BF5;
	[smem:$0x3FBB] =	sst s0  }
0x18: {  	s0 =	sld [smem:$0x3F9E];
	_ =	swait.ge [sflag:s4], $0x0  }
0x19: {  	s7 =	sld [smem:$0x3F9F]  }
0x1a: {  	s8 =	sadd.s32 $0xFFFFE003, lr  }
0x1b: {  	s9 =	sadd.s32 $0xFFFFFEF7, lr;
	s5 =	simm.s32 $0xFFFFFFFF;
	p2 =	slt.u32 s8, $0xFFFFF086  }
0x1c: {  	p1 =	slt.u32 s9, $0xF7A;
	s5 =	simm.s32 @!p2 $0x0  }
0x1d: {  	s5 =	simm.s32 @p1 $0x1;
	p0 =	seq.s32 s7, s2  }
0x1e: {  	s7 =	smul.u32 @!p0 $0xF7A, s2;
	p2 =	seq.s32 @!p0 s5, $0x0  }
0x1f: {  	s9 =	smul.u32 $0xF7A, s1;
	s8 =	simm.s32 @!p0 $0x1BF5;
	p2 =	por !p2, p0  }
0x20: {  	[sflag:s8] =	ssyncset.s32 @!p0 $0xFFFFF086;
	s6 =	sadd.s32 @!p0 s3, s7;
	s7 =	simm.s32 @!p0 $0x108  }
0x21: {  	s3 =	sadd.s32 s3, s9;
	s6 =	sadd.s32 @!p0 $0x88, s6;
	s7 =	simm.s32 @p2 $0x1082  }
0x22: {  	[simem:s7], [sflag:s8] =	dma.local @!p0 [hbm:s6], $0xF7A  }
0x23: {  	s9 =	sor.u32 $0xD0000000, s2;
	s6 =	simm.s32 $0x108;
	_ =	swait.ge @!p0 [sflag:s8], $0x0  }
0x24: {  	s3 =	sadd.s32 $0x88, s3;
	s6 =	simm.s32 @!p1 $0x1082;
	[sflag:s4] =	ssyncset.s32 $0xFFFFF086  }
0x25: {  	[simem:s6], [sflag:s4] =	dma.local [hbm:s3], $0xF7A  }
0x26: {  	[smem:$0x3F9F] =	sst s1;
	(tag) =	ssettag s2;
	_ =	strace s9  }
0x27: {  	s1 =	sld [smem:$0x3FAF]  }
0x28: {  	s2 =	sld [smem:$0x3FB0]  }
0x29: {  	s4 =	sld [smem:$0x3FB2]  }
0x2a: {  	p0 =	seq.s32 s5, $0x0;
	s5 =	sld [smem:$0x3FB3]  }
0x2b: {  	s6 =	sld [smem:$0x3FB4]  }
0x2c: {  	s7 =	sld [smem:$0x3FB5]  }
0x2d: {  	s3 =	simm.s32 $0x108;
	s8 =	sld [smem:$0x3FB6]  }
0x2e: {  	s3 =	simm.s32 @!p0 $0x1082;
	s9 =	sld [smem:$0x3FB7]  }
0x2f: {  	lr =	sadd.s32 s0, s3;
	s0 =	sld [smem:$0x3FAE]  }
0x30: {  	s3 =	sld [smem:$0x3FB1]  }
0x31: {  	[smem:$0x3FBA] =	sst s10  }
0x32: {  	s10 =	sld [smem:$0x3FB8];
	_ =	sdelay $0x3  }
0x33: {  	p0 =	seq.s32 s10, $0x1;
	s10 =	sld [smem:$0x3FBA];
	_ =	sdelay $0x3  }
0x34: {  	[smem:$0x3FBA] =	sst s10  }
0x35: {  	s10 =	sld [smem:$0x3FB9];
	_ =	sdelay $0x3  }
0x36: {  	p1 =	seq.s32 s10, $0x1;
	s10 =	sld [smem:$0x3FBA];
	_ =	sdelay $0x3  }
0x37: {  	[smem:$0x3FBA] =	sst s10  }
0x38: {  	s10 =	sld [smem:$0x3FBB]  }
0x39: {  	_ = 	snop;
	(pc) =	sbr.ind lr, $3  }
0x3a: {  	_ = 	snop  }
0x3b: {  	_ = 	snop  }
0x3c: {  	p2 =	seq.s32 s10, $0x1;
	s10 =	sld [smem:$0x3FBA]  }
0x3d: {  	_ =	shalt  }
0x3e: {  	_ =	shalt  }
0x3f: {  	_ =	shalt  }
0x40: {  	_ =	shalt  }
0x41: {  	_ =	shalt  }
0x42: {  	_ =	shalt  }
0x43: {  	_ =	shalt  }
0x44: {  	_ =	shalt  }
0x45: {  	_ =	shalt  }
0x46: {  	_ =	shalt  }
0x47: {  	_ =	shalt  }
0x48: {  	_ =	shalt  }
0x49: {  	_ =	shalt  }
0x4a: {  	_ =	shalt  }
0x4b: {  	_ =	shalt  }
0x4c: {  	_ =	shalt  }
0x4d: {  	_ =	shalt  }
0x4e: {  	_ =	shalt  }
0x4f: {  	_ =	shalt  }
0x50: {  	_ =	shalt  }
0x51: {  	_ =	shalt  }
0x52: {  	_ =	shalt  }
0x53: {  	_ =	shalt  }
0x54: {  	_ =	shalt  }
0x55: {  	_ =	shalt  }
0x56: {  	_ =	shalt  }
0x57: {  	_ =	shalt  }
0x58: {  	_ =	shalt  }
0x59: {  	_ =	shalt  }
0x5a: {  	_ =	shalt  }
0x5b: {  	_ =	shalt  }
0x5c: {  	_ =	shalt  }
0x5d: {  	_ =	shalt  }
0x5e: {  	_ =	shalt  }
0x5f: {  	_ =	shalt  }
0x60: {  	_ =	shalt  }
0x61: {  	_ =	shalt  }
0x62: {  	_ =	shalt  }
0x63: {  	_ =	shalt  }
0x64: {  	_ =	shalt  }
0x65: {  	_ =	shalt  }
0x66: {  	_ =	shalt  }
0x67: {  	_ =	shalt  }
0x68: {  	_ =	shalt  }
0x69: {  	_ =	shalt  }
0x6a: {  	_ =	shalt  }
0x6b: {  	_ =	shalt  }
0x6c: {  	_ =	shalt  }
0x6d: {  	_ =	shalt  }
0x6e: {  	_ =	shalt  }
0x6f: {  	_ =	shalt  }
0x70: {  	_ =	shalt  }
0x71: {  	_ =	shalt  }
0x72: {  	_ =	shalt  }
0x73: {  	_ =	shalt  }
0x74: {  	_ =	shalt  }
0x75: {  	_ =	shalt  }
0x76: {  	_ =	shalt  }
0x77: {  	_ =	shalt  }
0x78: {  	_ =	shalt  }
0x79: {  	_ =	shalt  }
0x7a: {  	_ =	shalt  }
0x7b: {  	_ =	shalt  }
0x7c: {  	_ =	shalt  }
0x7d: {  	_ =	shalt  }
0x7e: {  	_ =	shalt  }
0x7f: {  	_ =	shalt  }
0x80: {  	_ =	shalt  }
0x81: {  	_ =	shalt  }
0x82: {  	_ =	shalt  }
0x83: {  	_ =	shalt  }
0x84: {  	_ =	shalt  }
0x85: {  	_ =	shalt  }
0x86: {  	_ =	shalt  }
0x87: {  	_ =	shalt  }
.Lfunc_end0:
.L_simem_size_0:
called_computation_lowered:
.L_overlay_start_0:
0x88: {  	s2 =	sld [smem:$0x3FD9]  }
0x89: {  	s3 =	sld [smem:$0x3FFE];
	_ =	sdelay $0x1  }
0x8a: {  	s1 =	srdreg.scid  }
0x8b: {  	s0 =	sand.u32 $0x1, s1  }
0x8c: {  	s17 =	sshll.u32 s0, $0xA;
	s2 =	sadd.s32 s3, s2  }
0x8d: {  	s2 =	sadd.s32 s2, s17  }
0x8e: {  	[smem:$0x3FC6] =	sst s2  }
0x8f: {  	_ = 	snop  }
0x90: {  	s2 =	sld [smem:$0x3FD0];
	(tm) =	ssettm $0x1  }
0x91: {  	s18 =	sld [smem:$0x3FFB];
	_ =	sdelay $0x3  }
0x92: {  	_ =	strace s18  }
0x93: {  	s3 =	sld [smem:$0x3FFC];
	_ =	sdelay $0x3  }
0x94: {  	_ =	strace s3  }
0x95: {  	s3 =	sld [smem:$0x3FFD];
	_ =	sdelay $0x3  }
0x96: {  	_ =	strace s3  }
0x97: {  	_ =	strace $0x8FFFFFFF  }
0x98: {  	s19 =	sld [smem:$0x3FDB];
	_ =	sdelay $0x1  }
0x99: {  	s4 =	simm.s32 $_scs_section_size  }
0x9a: {  	s5 =	simm.s32 $_size__tile_overlayer_lowered;
	s6 =	simm.s32 $_tile_overlayer_lowered  }
0x9b: {  	s22 =	simm.s32 $0x1BFF;
	s21 =	sshll.u32 s6, $0x1;
	s3 =	sadd.s32 s4, s19  }
0x9c: {  	s7 =	simm.s32 $0x0;
	s20 =	sshll.u32 s5, $0x1;
	s5 =	sadd.s32 s21, s3  }
0x9d: {  	[timem:s7], [sflag:s22] =	dma.local [hbm:s5], s20  }
0x9e: {  	_ =	swait.ge [sflag:s22], s20  }
0x9f: {  	s4 =	ssub.s32 $0x0, s20;
	[sflag:s22] =	ssyncset.done $0x0  }
0xa0: {  	[sflag:s22] =	ssyncadd.s32 s4;
	_ =	sdelay $0x1  }
0xa1: {  	s23 =	simm.s32 $0x1B8B  }
0xa2: {  	_ =	swait.ge [sflag:s23], $0x1  }
0xa3: {  	[sflag:s23] =	ssyncset.done $0x0  }
0xa4: {  	s25 =	simm.s32 $0x1B8E;
	s24 =	sld [smem:$0x3FFE];
	[sflag:s23] =	ssyncadd.s32 $0xFFFFFFFF  }
0xa5: {  	s26 =	simm.s32 $execute0_lowered;
	[smem:$0x3FD2] =	sst s25  }
0xa6: {  	s5 =	sshll.u32 s26, $0x1;
	_ =	strace $0x80000046;
	[dreg:$0x1] =	wrdreg $0xFFFFFFFF  }
0xa7: {  	s28 =	simm.s32 $_size_execute0_lowered;
	s3 =	sadd.s32 s3, s5;
	[dreg:$0x0] =	wrdreg $0x0  }
0xa8: {  	s5 =	sshll.u32 s28, $0x1;
	[dreg:$0x2] =	wrdreg s3  }
0xa9: {  	[dreg:$0x3] =	wrdreg s5  }
0xaa: {  	[dreg:$0x4] =	wrdreg $0xC0  }
0xab: {  	_ =	task [dreg:s7], $0x5FFFF  }
0xac: {  	[dreg:$0x1] =	wrdreg $0xFFFFFFFF  }
0xad: {  	[dreg:$0x0] =	wrdreg $0x60  }
0xae: {  	[dreg:$0x2] =	wrdreg s24  }
0xaf: {  	[dreg:$0x3] =	wrdreg s2  }
0xb0: {  	[dreg:$0x4] =	wrdreg $0x9  }
0xb1: {  	_ =	task.clear_ibuf [dreg:s7], $0x5FFFF;
	_ =	strace $0x90000046  }
0xb2: {  	s29 =	simm.s32 $0x9;
	_ =	strace $0x80000048  }
0xb3: {  	_ =	swait.ge [sflag:s29], $0x1  }
0xb4: {  	[sflag:s29] =	ssyncadd.s32 $0xFFFFFFFF  }
0xb5: {  	_ =	strace $0x90000048  }
0xb6: {  	_ =	sfence  }
0xb7: {  	s30 =	sld [smem:$0x0];
	_ =	sdelay $0x2  }
0xb8: {  	s31 =	sshll.u32 s1, $0xD;
	s1 =	sshrl.u32 s1, $0x2  }
0xb9: {  	s3 =	sand.u32 $0x4000, s31;
	s1 =	sadd.s32 s1, s30  }
0xba: {  	s0 =	sor.u32 s3, s0;
	s1 =	sshll.u32 s1, $0x11  }
0xbb: {  	s0 =	sor.u32 s1, s0  }
0xbc: {  	s0 =	sadd.s32 $0x8F2B, s0  }
0xbd: {  	[sflag:s0] =	ssyncadd.remote.s32 $0x1  }
0xbe: {  	_ =	sfence.sel $0xFFFF  }
0xbf: {  	[dreg:$0x0] =	wrdreg $0xFFFFFFFF;
	(pc) =	sbr.abs _section_cstart, $3  }
0xc0: {  	[dreg:$0x1] =	wrdreg $0xFFFFFFFF  }
0xc1: {  	_ =	task.clear_ibuf [dreg:s7], $0x2FFFF;
	_ =	strace $0x9FFFFFFF  }
0xc2: {  	(tm) =	ssettm $0x7FFFFFFF  }
0xc3: {  	_ =	shalt  }
tec
execute0_lowered:
.L_overlay_start_1:
0x0: {  	(tag) =	ssettag $0x1  }
0x1: {  	s0 =	srdreg.scid;
	s1 =	rddreg [dreg:$0x0]  }
0x2: {  	s4 =	stileid.u32;
	s5 =	rddreg [dreg:$0x1]  }
0x3: {  	s6 =	simm.s32 $0x0;
	s12 =	simm.s32 $0xB;
	s13 =	simm.s32 $0x100  }
0x4: {  	s14 =	simm.s32 $0x6400;
	s15 =	simm.s32 $0xA400;
	s17 =	simm.s32 $0xE400  }
0x5: {  	s28 =	simm.s32 $0x4;
	s29 =	simm.s32 $0x5;
	s30 =	simm.s32 $0x6  }
0x6: {  	s0 =	sand.u32 $0x1, s0;
	s2 =	sshll.u32 s4, $0x1;
	s4 =	smul.u32 $0xC800, s4  }
0x7: {  	s31 =	simm.s32 $0x7;
	s2 =	sor.u32 s0, s2;
	s19 =	smul.u32 $0x6400, s0  }
0x8: {  	s16 =	simm.s32 $0xA;
	s18 =	simm.s32 $0x0;
	s3 =	smul.u32 $0x6400, s2  }
0x9: {  	[smem:$0x7FF] =	sst s6;
	s0 =	ssub.s32 $0x2, s0;
	s8 =	smul.u32 $0x64000, s2  }
0xa: {  	_ =	strace $0x80000047;
	s20 =	sshrl.u32 s0, $0x1;
	s2 =	smul.u32 $0x320000, s2  }
0xb: {  	s6 =	sadd.s32 s19, s4;
	s0 =	ssub.s32 s0, s20;
	s19 =	simm.s32 $0x12400  }
0xc: {  	s3 =	sshrl.u32 s3, $0x3;
	s4 =	sadd.s32 s5, s8;
	s21 =	sshll.u32 s6, $0x4  }
0xd: {  	s2 =	sshrl.u32 s2, $0x3;
	s10 =	smax.u32 s0, $0x1;
	s0 =	simm.s32 $0x9  }
0xe: {  	s7 =	sadd.s32 s3, s1;
	s3 =	sadd.s32 $0x1E84E00, s1;
	s23 =	sadd.s32 $0x1000, s4  }
0xf: {  	s1 =	sadd.s32 s5, s21;
	s8 =	sadd.s32 $0x3000, s4;
	s2 =	sadd.s32 s5, s2  }
0x10: {  	s21 =	simm.s32 $0x16400;
	s22 =	sadd.s32 $0x600, s7;
	[dreg:$0x8] =	wrdreg s23  }
0x11: {  	s7 =	sadd.s32 $0x2000, s4;
	s9 =	sadd.s32 $0x5000, s1;
	[dreg:$0x7] =	wrdreg s22  }
0x12: {  	s24 =	sadd.s32 $0x9000, s1;
	s25 =	sadd.s32 $0x8000, s1;
	[dreg:$0x3] =	wrdreg s9  }
0x13: {  	s26 =	sadd.s32 $0x7000, s1;
	s11 =	sadd.s32 $0x6000, s1;
	[dreg:$0x4] =	wrdreg s24  }
0x14: {  	s23 =	simm.s32 $0x40;
	s1 =	simm.s32 $0x8;
	[dreg:$0x5] =	wrdreg s25  }
0x15: {  	s9 =	sadd.s32 $0x4000, s2;
	[dreg:$0x6] =	wrdreg s26;
	s22 =	simm.s32 $0x1  }
0x16: {  	s24 =	simm.s32 $0x80;
	s25 =	simm.s32 $0x2;
	s26 =	simm.s32 $0x3  }
.LBB2_1:
0x17: {  	s2 =	simm.s32 $0x0;
	s5 =	rddreg [dreg:$0x7]  }
0x18: {  	[tilespmem:s2], [sflag:$0xB] =	stream.linear.gather [hbm4b:s5+s2], $0x6400, $0x38;
	[tilespmem:$0x1A400] =	vst v63  }
0x19: {  	_ =	swait.ge [sflag:s12], $0x6400  }
0x1a: {  	[sflag:s12] =	ssyncset.done $0x0  }
0x1b: {  	[sflag:s12] =	ssyncadd.s32 $0xFFFF9C00  }
0x1c: {  	[tilespmem:s14], [sflag:$0x1] =	stream.indirect.gather [hbm4b:s3+s13], $0x40, s2, s13, $0xb8;
	[tilespmem:$0x1A400] =	vst v63  }
0x1d: {  	_ = 	snop  }
0x1e: {  	[tilespmem:s15], [sflag:$0x2] =	stream.indirect.gather [hbm4b:s3+s13], $0x40, s13, s13, $0xb8;
	[tilespmem:$0x1A400] =	vst v63  }
0x1f: {  	s5 =	simm.s32 $0x200  }
0x20: {  	[tilespmem:s17], [sflag:$0x3] =	stream.indirect.gather [hbm4b:s3+s13], $0x40, s5, s13, $0xb8;
	[tilespmem:$0x1A400] =	vst v63  }
0x21: {  	s6 =	simm.s32 $0x300  }
0x22: {  	[tilespmem:s19], [sflag:$0x4] =	stream.indirect.gather [hbm4b:s3+s13], $0x40, s6, s13, $0xb8;
	[tilespmem:$0x1A400] =	vst v63  }
0x23: {  	s20 =	simm.s32 $0x400  }
0x24: {  	[tilespmem:s21], [sflag:$0x5] =	stream.indirect.gather [hbm4b:s3+s13], $0x40, s20, s13, $0xb8;
	[tilespmem:$0x1A400] =	vst v63  }
0x25: {  	_ =	swait.ge [sflag:s22], $0x4000  }
0x26: {  	[sflag:s22] =	ssyncset.done $0x0  }
0x27: {  	[sflag:s22] =	ssyncadd.s32 $0xFFFFC000  }
0x28: {  	[hbm4b:s4+s23] =	stream.strided.scatter [tilespmem:s14], [sflag:$0x6], $0x4000, s24, s23, $0x38;
	[tilespmem:$0x1A400] =	vst v63  }
0x29: {  	_ =	swait.ge [sflag:s25], $0x4000  }
0x2a: {  	[sflag:s25] =	ssyncset.done $0x0  }
0x2b: {  	s5 =	rddreg [dreg:$0x8];
	[sflag:s25] =	ssyncadd.s32 $0xFFFFC000  }
0x2c: {  	[hbm4b:s5+s23] =	stream.strided.scatter [tilespmem:s15], [sflag:$0x7], $0x4000, s24, s23, $0x38;
	[tilespmem:$0x1A400] =	vst v63  }
0x2d: {  	_ =	swait.ge [sflag:s26], $0x4000  }
0x2e: {  	[sflag:s26] =	ssyncset.done $0x0  }
0x2f: {  	[sflag:s26] =	ssyncadd.s32 $0xFFFFC000  }
0x30: {  	[hbm4b:s7+s23] =	stream.strided.scatter [tilespmem:s17], [sflag:$0x8], $0x4000, s24, s23, $0x38;
	[tilespmem:$0x1A400] =	vst v63  }
0x31: {  	_ =	swait.ge [sflag:s28], $0x4000  }
0x32: {  	[sflag:s28] =	ssyncset.done $0x0  }
0x33: {  	[sflag:s28] =	ssyncadd.s32 $0xFFFFC000  }
0x34: {  	[hbm4b:s8+s23] =	stream.strided.scatter [tilespmem:s19], [sflag:$0x9], $0x4000, s24, s23, $0x38;
	[tilespmem:$0x1A400] =	vst v63  }
0x35: {  	_ =	swait.ge [sflag:s29], $0x4000  }
0x36: {  	[sflag:s29] =	ssyncset.done $0x0  }
0x37: {  	[sflag:s29] =	ssyncadd.s32 $0xFFFFC000  }
0x38: {  	[hbm4b:s9+s23] =	stream.strided.scatter [tilespmem:s21], [sflag:$0xA], $0x4000, s24, s23, $0x38;
	[tilespmem:$0x1A400] =	vst v63  }
0x39: {  	_ =	swait.ge [sflag:s30], $0x4000  }
0x3a: {  	[sflag:s30] =	ssyncset.done $0x0  }
0x3b: {  	s6 =	simm.s32 $0x500;
	[sflag:s30] =	ssyncadd.s32 $0xFFFFC000  }
0x3c: {  	[tilespmem:s14], [sflag:$0x1] =	stream.indirect.gather [hbm4b:s3+s13], $0x40, s6, s13, $0xb8;
	[tilespmem:$0x1A400] =	vst v63  }
0x3d: {  	_ =	swait.ge [sflag:s31], $0x4000  }
0x3e: {  	[sflag:s31] =	ssyncset.done $0x0  }
0x3f: {  	s20 =	simm.s32 $0x600;
	[sflag:s31] =	ssyncadd.s32 $0xFFFFC000  }
0x40: {  	[tilespmem:s15], [sflag:$0x2] =	stream.indirect.gather [hbm4b:s3+s13], $0x40, s20, s13, $0xb8;
	[tilespmem:$0x1A400] =	vst v63  }
0x41: {  	_ =	swait.ge [sflag:s1], $0x4000  }
0x42: {  	[sflag:s1] =	ssyncset.done $0x0  }
0x43: {  	s5 =	simm.s32 $0x700;
	[sflag:s1] =	ssyncadd.s32 $0xFFFFC000  }
0x44: {  	[tilespmem:s17], [sflag:$0x3] =	stream.indirect.gather [hbm4b:s3+s13], $0x40, s5, s13, $0xb8;
	[tilespmem:$0x1A400] =	vst v63  }
0x45: {  	_ =	swait.ge [sflag:s0], $0x4000  }
0x46: {  	[sflag:s0] =	ssyncset.done $0x0  }
0x47: {  	s6 =	simm.s32 $0x800;
	[sflag:s0] =	ssyncadd.s32 $0xFFFFC000  }
0x48: {  	[tilespmem:s19], [sflag:$0x4] =	stream.indirect.gather [hbm4b:s3+s13], $0x40, s6, s13, $0xb8;
	[tilespmem:$0x1A400] =	vst v63  }
0x49: {  	_ =	swait.ge [sflag:s16], $0x4000  }
0x4a: {  	[sflag:s16] =	ssyncset.done $0x0  }
0x4b: {  	s20 =	simm.s32 $0x900;
	[sflag:s16] =	ssyncadd.s32 $0xFFFFC000  }
0x4c: {  	[tilespmem:s21], [sflag:$0x5] =	stream.indirect.gather [hbm4b:s3+s13], $0x40, s20, s13, $0xb8;
	[tilespmem:$0x1A400] =	vst v63  }
0x4d: {  	_ =	swait.ge [sflag:s22], $0x4000  }
0x4e: {  	s5 =	rddreg [dreg:$0x3];
	[sflag:s22] =	ssyncset.done $0x0  }
0x4f: {  	[sflag:s22] =	ssyncadd.s32 $0xFFFFC000;
	s2 =	sadd.s32 $0x0, s5  }
0x50: {  	[hbm4b:s2+s23] =	stream.strided.scatter [tilespmem:s14], [sflag:$0x6], $0x4000, s24, s23, $0x38;
	[tilespmem:$0x1A400] =	vst v63  }
0x51: {  	_ =	swait.ge [sflag:s25], $0x4000  }
0x52: {  	[sflag:s25] =	ssyncset.done $0x0  }
0x53: {  	s6 =	sadd.s32 $0x0, s11;
	[sflag:s25] =	ssyncadd.s32 $0xFFFFC000  }
0x54: {  	[hbm4b:s6+s23] =	stream.strided.scatter [tilespmem:s15], [sflag:$0x7], $0x4000, s24, s23, $0x38;
	[tilespmem:$0x1A400] =	vst v63  }
0x55: {  	_ =	swait.ge [sflag:s26], $0x4000  }
0x56: {  	s20 =	rddreg [dreg:$0x6];
	[sflag:s26] =	ssyncset.done $0x0  }
0x57: {  	[sflag:s26] =	ssyncadd.s32 $0xFFFFC000;
	s2 =	sadd.s32 $0x0, s20  }
0x58: {  	[hbm4b:s2+s23] =	stream.strided.scatter [tilespmem:s17], [sflag:$0x8], $0x4000, s24, s23, $0x38;
	[tilespmem:$0x1A400] =	vst v63  }
0x59: {  	_ =	swait.ge [sflag:s28], $0x4000  }
0x5a: {  	s5 =	rddreg [dreg:$0x5];
	[sflag:s28] =	ssyncset.done $0x0  }
0x5b: {  	[sflag:s28] =	ssyncadd.s32 $0xFFFFC000;
	s2 =	sadd.s32 $0x0, s5  }
0x5c: {  	[hbm4b:s2+s23] =	stream.strided.scatter [tilespmem:s19], [sflag:$0x9], $0x4000, s24, s23, $0x38;
	[tilespmem:$0x1A400] =	vst v63  }
0x5d: {  	_ =	swait.ge [sflag:s29], $0x4000  }
0x5e: {  	s20 =	simm.s32 $0x5000;
	s6 =	rddreg [dreg:$0x4];
	[sflag:s29] =	ssyncset.done $0x0  }
0x5f: {  	s2 =	simm.s32 $0xE00;
	[sflag:s29] =	ssyncadd.s32 $0xFFFFC000;
	s5 =	sadd.s32 $0x0, s6  }
.LBB2_2:
0x60: {  	[hbm4b:s5+s23] =	stream.strided.scatter [tilespmem:s21], [sflag:$0xA], $0x4000, s24, s23, $0x38;
	[tilespmem:$0x1A400] =	vst v63  }
0x61: {  	_ =	swait.ge [sflag:s30], $0x4000  }
0x62: {  	[sflag:s30] =	ssyncset.done $0x0  }
0x63: {  	s6 =	sadd.s32 $0xFFFFFC00, s2;
	[sflag:s30] =	ssyncadd.s32 $0xFFFFC000  }
0x64: {  	[tilespmem:s14], [sflag:$0x1] =	stream.indirect.gather [hbm4b:s3+s13], $0x40, s6, s13, $0xb8;
	[tilespmem:$0x1A400] =	vst v63  }
0x65: {  	_ =	swait.ge [sflag:s31], $0x4000  }
0x66: {  	[sflag:s31] =	ssyncset.done $0x0  }
0x67: {  	s6 =	sadd.s32 $0xFFFFFD00, s2;
	[sflag:s31] =	ssyncadd.s32 $0xFFFFC000  }
0x68: {  	[tilespmem:s15], [sflag:$0x2] =	stream.indirect.gather [hbm4b:s3+s13], $0x40, s6, s13, $0xb8;
	[tilespmem:$0x1A400] =	vst v63  }
0x69: {  	_ =	swait.ge [sflag:s1], $0x4000  }
0x6a: {  	[sflag:s1] =	ssyncset.done $0x0  }
0x6b: {  	s6 =	sadd.s32 $0xFFFFFE00, s2;
	[sflag:s1] =	ssyncadd.s32 $0xFFFFC000  }
0x6c: {  	[tilespmem:s17], [sflag:$0x3] =	stream.indirect.gather [hbm4b:s3+s13], $0x40, s6, s13, $0xb8;
	[tilespmem:$0x1A400] =	vst v63  }
0x6d: {  	_ =	swait.ge [sflag:s0], $0x4000  }
0x6e: {  	[sflag:s0] =	ssyncset.done $0x0  }
0x6f: {  	s6 =	sadd.s32 $0xFFFFFF00, s2;
	[sflag:s0] =	ssyncadd.s32 $0xFFFFC000  }
0x70: {  	[tilespmem:s19], [sflag:$0x4] =	stream.indirect.gather [hbm4b:s3+s13], $0x40, s6, s13, $0xb8;
	[tilespmem:$0x1A400] =	vst v63  }
0x71: {  	_ =	swait.ge [sflag:s16], $0x4000  }
0x72: {  	[sflag:s16] =	ssyncset.done $0x0  }
0x73: {  	[sflag:s16] =	ssyncadd.s32 $0xFFFFC000  }
0x74: {  	[tilespmem:s21], [sflag:$0x5] =	stream.indirect.gather [hbm4b:s3+s13], $0x40, s2, s13, $0xb8;
	[tilespmem:$0x1A400] =	vst v63  }
0x75: {  	_ =	swait.ge [sflag:s22], $0x4000  }
0x76: {  	s5 =	smov.u32 s20;
	s6 =	rddreg [dreg:$0x3];
	[sflag:s22] =	ssyncset.done $0x0  }
0x77: {  	[sflag:s22] =	ssyncadd.s32 $0xFFFFC000;
	s6 =	sadd.s32 s5, s6  }
0x78: {  	[hbm4b:s6+s23] =	stream.strided.scatter [tilespmem:s14], [sflag:$0x6], $0x4000, s24, s23, $0x38;
	[tilespmem:$0x1A400] =	vst v63  }
0x79: {  	_ =	swait.ge [sflag:s25], $0x4000  }
0x7a: {  	[sflag:s25] =	ssyncset.done $0x0  }
0x7b: {  	s6 =	sadd.s32 s5, s11;
	[sflag:s25] =	ssyncadd.s32 $0xFFFFC000  }
0x7c: {  	[hbm4b:s6+s23] =	stream.strided.scatter [tilespmem:s15], [sflag:$0x7], $0x4000, s24, s23, $0x38;
	[tilespmem:$0x1A400] =	vst v63  }
0x7d: {  	_ =	swait.ge [sflag:s26], $0x4000  }
0x7e: {  	s6 =	rddreg [dreg:$0x6];
	[sflag:s26] =	ssyncset.done $0x0  }
0x7f: {  	[sflag:s26] =	ssyncadd.s32 $0xFFFFC000;
	s6 =	sadd.s32 s5, s6  }
0x80: {  	[hbm4b:s6+s23] =	stream.strided.scatter [tilespmem:s17], [sflag:$0x8], $0x4000, s24, s23, $0x38;
	[tilespmem:$0x1A400] =	vst v63  }
0x81: {  	_ =	swait.ge [sflag:s28], $0x4000  }
0x82: {  	p0 =	sne.s32 s20, $0x5A000;
	s6 =	rddreg [dreg:$0x5];
	[sflag:s28] =	ssyncset.done $0x0  }
.Ltmp0:
0x83: {  	[sflag:s28] =	ssyncadd.s32 $0xFFFFC000;
	s6 =	sadd.s32 s5, s6;
	(pc) =	sbr.rel @p0 .LBB2_2-.Ltmp0, $4  }
0x84: {  	[hbm4b:s6+s23] =	stream.strided.scatter [tilespmem:s19], [sflag:$0x9], $0x4000, s24, s23, $0x38;
	[tilespmem:$0x1A400] =	vst v63  }
0x85: {  	_ =	swait.ge [sflag:s29], $0x4000  }
0x86: {  	s20 =	sadd.s32 $0x5000, s20;
	[sflag:s29] =	ssyncset.done $0x0;
	s6 =	rddreg [dreg:$0x4]  }
0x87: {  	s2 =	sadd.s32 $0x500, s2;
	[sflag:s29] =	ssyncadd.s32 $0xFFFFC000;
	s5 =	sadd.s32 s5, s6  }
0x88: {  	[hbm4b:s5+s23] =	stream.strided.scatter [tilespmem:s21], [sflag:$0xA], $0x4000, s24, s23, $0x38;
	[tilespmem:$0x1A400] =	vst v63  }
0x89: {  	_ =	swait.ge [sflag:s30], $0x4000  }
0x8a: {  	[sflag:s30] =	ssyncset.done $0x0  }
0x8b: {  	[sflag:s30] =	ssyncadd.s32 $0xFFFFC000  }
0x8c: {  	_ =	swait.ge [sflag:s31], $0x4000  }
0x8d: {  	[sflag:s31] =	ssyncset.done $0x0  }
0x8e: {  	[sflag:s31] =	ssyncadd.s32 $0xFFFFC000  }
0x8f: {  	_ =	swait.ge [sflag:s1], $0x4000  }
0x90: {  	[sflag:s1] =	ssyncset.done $0x0  }
0x91: {  	s18 =	sadd.s32 $0x1, s18;
	[sflag:s1] =	ssyncadd.s32 $0xFFFFC000  }
0x92: {  	p0 =	sne.s32 s18, s10;
	_ =	swait.ge [sflag:s0], $0x4000  }
.Ltmp1:
0x93: {  	[sflag:s0] =	ssyncset.done $0x0;
	(pc) =	sbr.rel @p0 .LBB2_1-.Ltmp1, $4  }
0x94: {  	[sflag:s0] =	ssyncadd.s32 $0xFFFFC000  }
0x95: {  	_ =	swait.ge [sflag:s16], $0x4000  }
0x96: {  	[sflag:s16] =	ssyncset.done $0x0  }
0x97: {  	[sflag:s16] =	ssyncadd.s32 $0xFFFFC000  }
0x98: {  	_ =	sfence.sel $0x180000  }
0x99: {  	[bflag:$0x0] =	sbarrier.arrive $0xFFFF  }
0x9a: {  	_ =	strace $0x90000047  }
0x9b: {  	s0 =	stileid.u32;
	[bflag:$0x2] =	sbarrier.arrive $0xFFFF  }
0x9c: {  	p0 =	sne.s32 s0, $0x0;
	s0 =	rddreg [dreg:$0x2]  }
0x9d: {  	s0 =	sadd.s32 @!p0 $0x100000, s0  }
0x9e: {  	[sflag:s0] =	ssyncadd.tile.s32 @!p0 $0x1;
	_ =	shalt  }
.Lfunc_end2:
_tile_overlayer_lowered:
.L_overlay_start_2:
0x9f: {  	(tag) =	ssettag $0x2  }
0xa0: {  	s0 =	rddreg [dreg:$0x0];
	s2 =	stileid.u32  }
0xa1: {  	s1 =	rddreg [dreg:$0x1];
	p0 =	sne.s32 s2, $0x0  }
0xa2: {  	s3 =	rddreg [dreg:$0x2];
	[bflag:$0x3] =	sbarrier.arrive $0xFFFF;
	s2 =	simm.s32 @!p0 $0x1C0B  }
0xa3: {  	[timem:s3], [sflag:s2] =	dma.local @!p0 [hbm:s0], s1  }
0xa4: {  	s0 =	simm.s32 @!p0 $0xB  }
0xa5: {  	_ =	swait.ge @!p0 [sflag:s0], s1  }
0xa6: {  	s1 =	ssub.s32 @!p0 $0x0, s1;
	[sflag:s0] =	ssyncset.done @!p0 $0x0  }
0xa7: {  	[sflag:s0] =	ssyncadd.s32 @!p0 s1  }
0xa8: {  	[bflag:$0x3] =	sbarrier.arrive $0xFFFF  }
0xa9: {  	_ =	shalt  }

</sc_bundles>
